<compile_context>
chip_gen: v7x
topology: tpu7x:2x2x1
jax: 0.10.2.dev20260603
libtpu: 0.0.44.dev20260713+nightly
codegen_flags: <defaults>
</compile_context>

<pallas_src>
import functools

import jax
import jax.numpy as jnp
from jax import lax
from jax.experimental import pallas as pl
from jax.experimental.pallas import tpu as pltpu
from jax.experimental.pallas import tpu_sc as plsc

N = 100
LANES = 16
NVREG = 7
NPAD = NVREG * LANES
NTAIL = N - (NVREG - 1) * LANES

_LN2 = 0.6931471805599453
_SQRT2 = 1.4142135623730951


def _softlog(v):
    bits = lax.bitcast_convert_type(v, jnp.int32)
    e = lax.shift_right_arithmetic(bits, 23) - 127
    m = lax.bitcast_convert_type((bits & 0x007FFFFF) | 0x3F800000, jnp.float32)
    big = m > jnp.float32(_SQRT2)
    m = jnp.where(big, m * jnp.float32(0.5), m)
    e = jnp.where(big, e + 1, e)
    t = (m - jnp.float32(1.0)) / (m + jnp.float32(1.0))
    t2 = t * t
    p = jnp.float32(2.0) * t * (jnp.float32(1.0) + t2 * jnp.float32(1.0 / 3.0))
    return e.astype(jnp.float32) * jnp.float32(_LN2) + p


def _lane_take(x, idx):
    dnums = lax.GatherDimensionNumbers(
        offset_dims=(), collapsed_slice_dims=(0,), start_index_map=(0,))
    return lax.gather(x, idx[:, None], dnums, (1,),
                      mode=lax.GatherScatterMode.PROMISE_IN_BOUNDS)


_mesh = plsc.VectorSubcoreMesh(
    core_axis_name="c", subcore_axis_name="s", num_cores=1, num_subcores=1)


@functools.partial(
    pl.kernel,
    mesh=_mesh,
    out_type=jax.ShapeDtypeStruct((2, NPAD), jnp.float32),
    scratch_types=[
        pltpu.VMEM((NPAD,), jnp.float32),
        pltpu.VMEM((2, NPAD), jnp.float32),
        pltpu.SemaphoreType.DMA,
    ],
)
def _distrib_sc(x_hbm, out_hbm, x_v, o_v, sem):
    pltpu.sync_copy(x_hbm, x_v.at[pl.ds(0, N)])
    lane = lax.iota(jnp.int32, LANES)
    vs = []
    acc = jnp.zeros((LANES,), jnp.float32)
    for i in range(NVREG):
        v = jnp.maximum(x_v[pl.ds(i * LANES, LANES)], jnp.float32(0.0))
        if i == NVREG - 1:
            v = jnp.where(lane < NTAIL, v, jnp.float32(0.0))
        vs.append(v)
        acc = acc + v
    total = acc
    for k in (1, 2, 4, 8):
        total = total + _lane_take(total, lane ^ k)
    inv = jnp.float32(1.0) / total
    neg_inf = jnp.float32(-jnp.inf)
    for i, v in enumerate(vs):
        nv = v * inv
        o_v[1, pl.ds(i * LANES, LANES)] = nv
        lg = jnp.where(v > jnp.float32(0.0), _softlog(nv), neg_inf)
        o_v[0, pl.ds(i * LANES, LANES)] = lg
    pltpu.async_copy(o_v, out_hbm, sem).wait()


def kernel(learned_distribution):
    out = _distrib_sc(learned_distribution)
    return out[0, :N], out[1, :N]

# --- scband reference (transcript-rebuilt; emitter-appended) ---
"""Pipeline reference for scband-my-distrib-39737037423408 (READ-ONLY COPY).

The authoritative reference and input builder live on the scoring server;
editing this copy changes nothing except your own understanding.
"""

import jax, jax.numpy as jnp
import numpy as np

def setup_inputs() -> dict:
    # The module takes no forward args; its only state is a learned 100-element
    # parameter initialized to ones (matching torch.ones(100)).
    learned_distribution = jnp.ones((100,), dtype=jnp.float32)
    return {"learned_distribution": learned_distribution}

def reference(learned_distribution):
    # forward: relu -> normalize -> Categorical(probs)
    normalized = jax.nn.relu(learned_distribution)
    normalized = normalized / jnp.sum(normalized)
    # torch.distributions.Categorical(probs) stores probs and derives
    # logits = log(probs); return both to mirror (m, normalized_distribution).
    logits = jnp.log(normalized)
    return (logits, normalized)

if __name__ == "__main__":
    import jax
    _d = setup_inputs()
    print(jax.jit(kernel)(*tuple(_d.values())))

</pallas_src>

<mosaic_0001>
#map = affine_map<(d0, d1) -> (0)>
#map1 = affine_map<(d0, d1) -> (0, 0)>
module attributes {stable_mosaic.version = 14 : i64} {
  func.func @_distrib_sc(%arg0: i32, %arg1: i32, %arg2: memref<100xf32, #tpu.memory_space<hbm>>, %arg3: memref<2x112xf32, #tpu.memory_space<hbm>>, %arg4: memref<112xf32, #tpu.memory_space<vmem>>, %arg5: memref<2x112xf32, #tpu.memory_space<vmem>>, %arg6: memref<!tpu.dma_semaphore, #tpu.memory_space<semaphore_mem>>) attributes {dimension_semantics = [#tpu.dimension_semantics<core_parallel>, #tpu.dimension_semantics<subcore_parallel>], iteration_bounds = array<i64: 1, 1>, scalar_prefetch = 0 : i64, scratch_operands = 3 : i64, tpu.core_type = #tpu.core_type<sc_vector_subcore>, window_params = [{transform_indices = #map}, {transform_indices = #map1}]} {
    "tpu.region"() ({
      %run_scoped3A = tpu.sem_alloc : memref<!tpu.dma_semaphore, #tpu.memory_space<semaphore_mem>>
      %dma_start3A = arith.constant 0 : i32
      %dma_start3A_538 = tpu.memref_slice %arg4[%dma_start3A] : memref<112xf32, #tpu.memory_space<vmem>> -> memref<100xf32, #tpu.memory_space<vmem>>
      %dma_start3A_539 = arith.constant 0 : i32
      %dma_start3A_540 = tpu.memref_slice %arg4[%dma_start3A_539] : memref<112xf32, #tpu.memory_space<vmem>> -> memref<100xf32, #tpu.memory_space<vmem>>
      tpu.enqueue_dma source(%arg2 : memref<100xf32, #tpu.memory_space<hbm>>) target(%dma_start3A_540 : memref<100xf32, #tpu.memory_space<vmem>>) target_semaphore(%run_scoped3A : memref<!tpu.dma_semaphore, #tpu.memory_space<semaphore_mem>>)
      %dma_wait3A = arith.constant 0 : i32
      %dma_wait3A_541 = tpu.memref_slice %arg4[%dma_wait3A] : memref<112xf32, #tpu.memory_space<vmem>> -> memref<100xf32, #tpu.memory_space<vmem>>
      %dma_wait3A_542 = arith.constant 0 : i32
      %dma_wait3A_543 = tpu.memref_slice %arg4[%dma_wait3A_542] : memref<112xf32, #tpu.memory_space<vmem>> -> memref<100xf32, #tpu.memory_space<vmem>>
      tpu.wait_dma2 semaphore(%run_scoped3A : memref<!tpu.dma_semaphore, #tpu.memory_space<semaphore_mem>>) src(%arg2 : memref<100xf32, #tpu.memory_space<hbm>>) dst(%dma_wait3A_543 : memref<100xf32, #tpu.memory_space<vmem>>)
      tpu.yield
    }) : () -> ()
    %iota3A = tpu.iota {dimensions = array<i32: 0>} : vector<16xi32>
    %broadcast_in_dim3A = arith.constant 0.000000e+00 : f32
    %broadcast_in_dim3A_0 = vector.broadcast %broadcast_in_dim3A : f32 to vector<16xf32>
    %get3A = arith.constant 0 : index
    %get3A_1 = tpu.vector_load %arg4[%get3A] {strides = array<i32>} : memref<112xf32, #tpu.memory_space<vmem>>, vector<16xf32>,
    %get3A_2 = vector.shape_cast %get3A_1 : vector<16xf32> to vector<16xf32>
    %max3A = arith.constant 0.000000e+00 : f32
    %max3A_3 = vector.broadcast %max3A : f32 to vector<16xf32>
    %max3A_4 = arith.maximumf %get3A_2, %max3A_3 : vector<16xf32>
    %add3A = arith.addf %broadcast_in_dim3A_0, %max3A_4 : vector<16xf32>
    %get3A_5 = arith.constant 16 : index
    %get3A_6 = tpu.vector_load %arg4[%get3A_5] {strides = array<i32>} : memref<112xf32, #tpu.memory_space<vmem>>, vector<16xf32>,
    %get3A_7 = vector.shape_cast %get3A_6 : vector<16xf32> to vector<16xf32>
    %max3A_8 = arith.constant 0.000000e+00 : f32
    %max3A_9 = vector.broadcast %max3A_8 : f32 to vector<16xf32>
    %max3A_10 = arith.maximumf %get3A_7, %max3A_9 : vector<16xf32>
    %add3A_11 = arith.addf %add3A, %max3A_10 : vector<16xf32>
    %get3A_12 = arith.constant 32 : index
    %get3A_13 = tpu.vector_load %arg4[%get3A_12] {strides = array<i32>} : memref<112xf32, #tpu.memory_space<vmem>>, vector<16xf32>,
    %get3A_14 = vector.shape_cast %get3A_13 : vector<16xf32> to vector<16xf32>
    %max3A_15 = arith.constant 0.000000e+00 : f32
    %max3A_16 = vector.broadcast %max3A_15 : f32 to vector<16xf32>
    %max3A_17 = arith.maximumf %get3A_14, %max3A_16 : vector<16xf32>
    %add3A_18 = arith.addf %add3A_11, %max3A_17 : vector<16xf32>
    %get3A_19 = arith.constant 48 : index
    %get3A_20 = tpu.vector_load %arg4[%get3A_19] {strides = array<i32>} : memref<112xf32, #tpu.memory_space<vmem>>, vector<16xf32>,
    %get3A_21 = vector.shape_cast %get3A_20 : vector<16xf32> to vector<16xf32>
    %max3A_22 = arith.constant 0.000000e+00 : f32
    %max3A_23 = vector.broadcast %max3A_22 : f32 to vector<16xf32>
    %max3A_24 = arith.maximumf %get3A_21, %max3A_23 : vector<16xf32>
    %add3A_25 = arith.addf %add3A_18, %max3A_24 : vector<16xf32>
    %get3A_26 = arith.constant 64 : index
    %get3A_27 = tpu.vector_load %arg4[%get3A_26] {strides = array<i32>} : memref<112xf32, #tpu.memory_space<vmem>>, vector<16xf32>,
    %get3A_28 = vector.shape_cast %get3A_27 : vector<16xf32> to vector<16xf32>
    %max3A_29 = arith.constant 0.000000e+00 : f32
    %max3A_30 = vector.broadcast %max3A_29 : f32 to vector<16xf32>
    %max3A_31 = arith.maximumf %get3A_28, %max3A_30 : vector<16xf32>
    %add3A_32 = arith.addf %add3A_25, %max3A_31 : vector<16xf32>
    %get3A_33 = arith.constant 80 : index
    %get3A_34 = tpu.vector_load %arg4[%get3A_33] {strides = array<i32>} : memref<112xf32, #tpu.memory_space<vmem>>, vector<16xf32>,
    %get3A_35 = vector.shape_cast %get3A_34 : vector<16xf32> to vector<16xf32>
    %max3A_36 = arith.constant 0.000000e+00 : f32
    %max3A_37 = vector.broadcast %max3A_36 : f32 to vector<16xf32>
    %max3A_38 = arith.maximumf %get3A_35, %max3A_37 : vector<16xf32>
    %add3A_39 = arith.addf %add3A_32, %max3A_38 : vector<16xf32>
    %get3A_40 = arith.constant 96 : index
    %get3A_41 = tpu.vector_load %arg4[%get3A_40] {strides = array<i32>} : memref<112xf32, #tpu.memory_space<vmem>>, vector<16xf32>,
    %get3A_42 = vector.shape_cast %get3A_41 : vector<16xf32> to vector<16xf32>
    %max3A_43 = arith.constant 0.000000e+00 : f32
    %max3A_44 = vector.broadcast %max3A_43 : f32 to vector<16xf32>
    %max3A_45 = arith.maximumf %get3A_42, %max3A_44 : vector<16xf32>
    %lt3A = arith.constant 4 : i32
    %lt3A_46 = vector.broadcast %lt3A : i32 to vector<16xi32>
    %lt3A_47 = arith.cmpi slt, %iota3A, %lt3A_46 : vector<16xi32>
    %jit3A = arith.constant 0.000000e+00 : f32
    %broadcast_in_dim3A_48 = vector.broadcast %jit3A : f32 to vector<16xf32>
    %select_n3A = arith.select %lt3A_47, %max3A_45, %broadcast_in_dim3A_48 : vector<16xi1>, vector<16xf32>
    %add3A_49 = arith.addf %add3A_39, %select_n3A : vector<16xf32>
    %xor3A = arith.constant 1 : i32
    %xor3A_50 = vector.broadcast %xor3A : i32 to vector<16xi32>
    %xor3A_51 = arith.xori %iota3A, %xor3A_50 : vector<16xi32>
    %broadcast_in_dim3A_52 = vector.shape_cast %xor3A_51 : vector<16xi32> to vector<16x1xi32>
    %gather3A = vector.shape_cast %broadcast_in_dim3A_52 : vector<16x1xi32> to vector<16xi32>
    %gather3A_53 = tpu.dynamic_gather %add3A_49[%gather3A] in [0] : vector<16xf32>, vector<16xi32> -> vector<16xf32>
    %add3A_54 = arith.addf %add3A_49, %gather3A_53 : vector<16xf32>
    %xor3A_55 = arith.constant 2 : i32
    %xor3A_56 = vector.broadcast %xor3A_55 : i32 to vector<16xi32>
    %xor3A_57 = arith.xori %iota3A, %xor3A_56 : vector<16xi32>
    %broadcast_in_dim3A_58 = vector.shape_cast %xor3A_57 : vector<16xi32> to vector<16x1xi32>
    %gather3A_59 = vector.shape_cast %broadcast_in_dim3A_58 : vector<16x1xi32> to vector<16xi32>
    %gather3A_60 = tpu.dynamic_gather %add3A_54[%gather3A_59] in [0] : vector<16xf32>, vector<16xi32> -> vector<16xf32>
    %add3A_61 = arith.addf %add3A_54, %gather3A_60 : vector<16xf32>
    %xor3A_62 = arith.constant 4 : i32
    %xor3A_63 = vector.broadcast %xor3A_62 : i32 to vector<16xi32>
    %xor3A_64 = arith.xori %iota3A, %xor3A_63 : vector<16xi32>
    %broadcast_in_dim3A_65 = vector.shape_cast %xor3A_64 : vector<16xi32> to vector<16x1xi32>
    %gather3A_66 = vector.shape_cast %broadcast_in_dim3A_65 : vector<16x1xi32> to vector<16xi32>
    %gather3A_67 = tpu.dynamic_gather %add3A_61[%gather3A_66] in [0] : vector<16xf32>, vector<16xi32> -> vector<16xf32>
    %add3A_68 = arith.addf %add3A_61, %gather3A_67 : vector<16xf32>
    %xor3A_69 = arith.constant 8 : i32
    %xor3A_70 = vector.broadcast %xor3A_69 : i32 to vector<16xi32>
    %xor3A_71 = arith.xori %iota3A, %xor3A_70 : vector<16xi32>
    %broadcast_in_dim3A_72 = vector.shape_cast %xor3A_71 : vector<16xi32> to vector<16x1xi32>
    %gather3A_73 = vector.shape_cast %broadcast_in_dim3A_72 : vector<16x1xi32> to vector<16xi32>
    %gather3A_74 = tpu.dynamic_gather %add3A_68[%gather3A_73] in [0] : vector<16xf32>, vector<16xi32> -> vector<16xf32>
    %add3A_75 = arith.addf %add3A_68, %gather3A_74 : vector<16xf32>
    %div3A = arith.constant 1.000000e+00 : f32
    %div3A_76 = vector.broadcast %div3A : f32 to vector<16xf32>
    %div3A_77 = arith.divf %div3A_76, %add3A_75 : vector<16xf32>
    %mul3A = arith.mulf %max3A_4, %div3A_77 : vector<16xf32>
    %swap3A = arith.constant 1 : i32
    %swap3A_78 = arith.index_cast %swap3A : i32 to index
    %swap3A_79 = arith.constant 0 : index
    %swap3A_80 = tpu.vector_load %arg5[%swap3A_78, %swap3A_79] {strides = array<i32>} : memref<2x112xf32, #tpu.memory_space<vmem>>, vector<1x16xf32>,
    %swap3A_81 = vector.shape_cast %swap3A_80 : vector<1x16xf32> to vector<16xf32>
    %swap3A_82 = vector.shape_cast %mul3A : vector<16xf32> to vector<1x16xf32>
    tpu.vector_store %arg5[%swap3A_78, %swap3A_79], %swap3A_82 {strides = array<i32>} : memref<2x112xf32, #tpu.memory_space<vmem>>, vector<1x16xf32>,
    %gt3A = arith.constant 0.000000e+00 : f32
    %gt3A_83 = vector.broadcast %gt3A : f32 to vector<16xf32>
    %gt3A_84 = arith.cmpf ogt, %max3A_4, %gt3A_83 : vector<16xf32>
    %bitcast_convert_type3A = tpu.bitcast %mul3A : vector<16xf32> -> vector<16xi32>
    %shift_right_arithmetic3A = arith.constant 23 : i32
    %shift_right_arithmetic3A_85 = vector.broadcast %shift_right_arithmetic3A : i32 to vector<16xi32>
    %shift_right_arithmetic3A_86 = arith.shrsi %bitcast_convert_type3A, %shift_right_arithmetic3A_85 : vector<16xi32>
    %sub3A = arith.constant 127 : i32
    %sub3A_87 = vector.broadcast %sub3A : i32 to vector<16xi32>
    %sub3A_88 = arith.subi %shift_right_arithmetic3A_86, %sub3A_87 : vector<16xi32>
    %and3A = arith.constant 8388607 : i32
    %and3A_89 = vector.broadcast %and3A : i32 to vector<16xi32>
    %and3A_90 = arith.andi %bitcast_convert_type3A, %and3A_89 : vector<16xi32>
    %or3A = arith.constant 1065353216 : i32
    %or3A_91 = vector.broadcast %or3A : i32 to vector<16xi32>
    %or3A_92 = arith.ori %and3A_90, %or3A_91 : vector<16xi32>
    %bitcast_convert_type3A_93 = tpu.bitcast %or3A_92 : vector<16xi32> -> vector<16xf32>
    %gt3A_94 = arith.constant 1.41421354 : f32
    %gt3A_95 = vector.broadcast %gt3A_94 : f32 to vector<16xf32>
    %gt3A_96 = arith.cmpf ogt, %bitcast_convert_type3A_93, %gt3A_95 : vector<16xf32>
    %mul3A_97 = arith.constant 5.000000e-01 : f32
    %mul3A_98 = vector.broadcast %mul3A_97 : f32 to vector<16xf32>
    %mul3A_99 = arith.mulf %bitcast_convert_type3A_93, %mul3A_98 : vector<16xf32>
    %select_n3A_100 = arith.select %gt3A_96, %mul3A_99, %bitcast_convert_type3A_93 : vector<16xi1>, vector<16xf32>
    %add3A_101 = arith.constant 1 : i32
    %add3A_102 = vector.broadcast %add3A_101 : i32 to vector<16xi32>
    %add3A_103 = arith.addi %sub3A_88, %add3A_102 : vector<16xi32>
    %select_n3A_104 = arith.select %gt3A_96, %add3A_103, %sub3A_88 : vector<16xi1>, vector<16xi32>
    %sub3A_105 = arith.constant 1.000000e+00 : f32
    %sub3A_106 = vector.broadcast %sub3A_105 : f32 to vector<16xf32>
    %sub3A_107 = arith.subf %select_n3A_100, %sub3A_106 : vector<16xf32>
    %add3A_108 = arith.constant 1.000000e+00 : f32
    %add3A_109 = vector.broadcast %add3A_108 : f32 to vector<16xf32>
    %add3A_110 = arith.addf %select_n3A_100, %add3A_109 : vector<16xf32>
    %div3A_111 = arith.divf %sub3A_107, %add3A_110 : vector<16xf32>
    %mul3A_112 = arith.mulf %div3A_111, %div3A_111 : vector<16xf32>
    %mul3A_113 = arith.constant 2.000000e+00 : f32
    %mul3A_114 = vector.broadcast %mul3A_113 : f32 to vector<16xf32>
    %mul3A_115 = arith.mulf %mul3A_114, %div3A_111 : vector<16xf32>
    %mul3A_116 = arith.constant 0.333333343 : f32
    %mul3A_117 = vector.broadcast %mul3A_116 : f32 to vector<16xf32>
    %mul3A_118 = arith.mulf %mul3A_112, %mul3A_117 : vector<16xf32>
    %add3A_119 = arith.constant 1.000000e+00 : f32
    %add3A_120 = vector.broadcast %add3A_119 : f32 to vector<16xf32>
    %add3A_121 = arith.addf %add3A_120, %mul3A_118 : vector<16xf32>
    %mul3A_122 = arith.mulf %mul3A_115, %add3A_121 : vector<16xf32>
    %convert_element_type3A = arith.sitofp %select_n3A_104 : vector<16xi32> to vector<16xf32>
    %mul3A_123 = arith.constant 0.693147182 : f32
    %mul3A_124 = vector.broadcast %mul3A_123 : f32 to vector<16xf32>
    %mul3A_125 = arith.mulf %convert_element_type3A, %mul3A_124 : vector<16xf32>
    %add3A_126 = arith.addf %mul3A_125, %mul3A_122 : vector<16xf32>
    %jit3A_127 = arith.constant 0xFF800000 : f32
    %broadcast_in_dim3A_128 = vector.broadcast %jit3A_127 : f32 to vector<16xf32>
    %select_n3A_129 = arith.select %gt3A_84, %add3A_126, %broadcast_in_dim3A_128 : vector<16xi1>, vector<16xf32>
    %swap3A_130 = arith.constant 0 : i32
    %swap3A_131 = arith.index_cast %swap3A_130 : i32 to index
    %swap3A_132 = arith.constant 0 : index
    %swap3A_133 = tpu.vector_load %arg5[%swap3A_131, %swap3A_132] {strides = array<i32>} : memref<2x112xf32, #tpu.memory_space<vmem>>, vector<1x16xf32>,
    %swap3A_134 = vector.shape_cast %swap3A_133 : vector<1x16xf32> to vector<16xf32>
    %swap3A_135 = vector.shape_cast %select_n3A_129 : vector<16xf32> to vector<1x16xf32>
    tpu.vector_store %arg5[%swap3A_131, %swap3A_132], %swap3A_135 {strides = array<i32>} : memref<2x112xf32, #tpu.memory_space<vmem>>, vector<1x16xf32>,
    %mul3A_136 = arith.mulf %max3A_10, %div3A_77 : vector<16xf32>
    %swap3A_137 = arith.constant 1 : i32
    %swap3A_138 = arith.index_cast %swap3A_137 : i32 to index
    %swap3A_139 = arith.constant 16 : index
    %swap3A_140 = tpu.vector_load %arg5[%swap3A_138, %swap3A_139] {strides = array<i32>} : memref<2x112xf32, #tpu.memory_space<vmem>>, vector<1x16xf32>,
    %swap3A_141 = vector.shape_cast %swap3A_140 : vector<1x16xf32> to vector<16xf32>
    %swap3A_142 = vector.shape_cast %mul3A_136 : vector<16xf32> to vector<1x16xf32>
    tpu.vector_store %arg5[%swap3A_138, %swap3A_139], %swap3A_142 {strides = array<i32>} : memref<2x112xf32, #tpu.memory_space<vmem>>, vector<1x16xf32>,
    %gt3A_143 = arith.constant 0.000000e+00 : f32
    %gt3A_144 = vector.broadcast %gt3A_143 : f32 to vector<16xf32>
    %gt3A_145 = arith.cmpf ogt, %max3A_10, %gt3A_144 : vector<16xf32>
    %bitcast_convert_type3A_146 = tpu.bitcast %mul3A_136 : vector<16xf32> -> vector<16xi32>
    %shift_right_arithmetic3A_147 = arith.constant 23 : i32
    %shift_right_arithmetic3A_148 = vector.broadcast %shift_right_arithmetic3A_147 : i32 to vector<16xi32>
    %shift_right_arithmetic3A_149 = arith.shrsi %bitcast_convert_type3A_146, %shift_right_arithmetic3A_148 : vector<16xi32>
    %sub3A_150 = arith.constant 127 : i32
    %sub3A_151 = vector.broadcast %sub3A_150 : i32 to vector<16xi32>
    %sub3A_152 = arith.subi %shift_right_arithmetic3A_149, %sub3A_151 : vector<16xi32>
    %and3A_153 = arith.constant 8388607 : i32
    %and3A_154 = vector.broadcast %and3A_153 : i32 to vector<16xi32>
    %and3A_155 = arith.andi %bitcast_convert_type3A_146, %and3A_154 : vector<16xi32>
    %or3A_156 = arith.constant 1065353216 : i32
    %or3A_157 = vector.broadcast %or3A_156 : i32 to vector<16xi32>
    %or3A_158 = arith.ori %and3A_155, %or3A_157 : vector<16xi32>
    %bitcast_convert_type3A_159 = tpu.bitcast %or3A_158 : vector<16xi32> -> vector<16xf32>
    %gt3A_160 = arith.constant 1.41421354 : f32
    %gt3A_161 = vector.broadcast %gt3A_160 : f32 to vector<16xf32>
    %gt3A_162 = arith.cmpf ogt, %bitcast_convert_type3A_159, %gt3A_161 : vector<16xf32>
    %mul3A_163 = arith.constant 5.000000e-01 : f32
    %mul3A_164 = vector.broadcast %mul3A_163 : f32 to vector<16xf32>
    %mul3A_165 = arith.mulf %bitcast_convert_type3A_159, %mul3A_164 : vector<16xf32>
    %select_n3A_166 = arith.select %gt3A_162, %mul3A_165, %bitcast_convert_type3A_159 : vector<16xi1>, vector<16xf32>
    %add3A_167 = arith.constant 1 : i32
    %add3A_168 = vector.broadcast %add3A_167 : i32 to vector<16xi32>
    %add3A_169 = arith.addi %sub3A_152, %add3A_168 : vector<16xi32>
    %select_n3A_170 = arith.select %gt3A_162, %add3A_169, %sub3A_152 : vector<16xi1>, vector<16xi32>
    %sub3A_171 = arith.constant 1.000000e+00 : f32
    %sub3A_172 = vector.broadcast %sub3A_171 : f32 to vector<16xf32>
    %sub3A_173 = arith.subf %select_n3A_166, %sub3A_172 : vector<16xf32>
    %add3A_174 = arith.constant 1.000000e+00 : f32
    %add3A_175 = vector.broadcast %add3A_174 : f32 to vector<16xf32>
    %add3A_176 = arith.addf %select_n3A_166, %add3A_175 : vector<16xf32>
    %div3A_177 = arith.divf %sub3A_173, %add3A_176 : vector<16xf32>
    %mul3A_178 = arith.mulf %div3A_177, %div3A_177 : vector<16xf32>
    %mul3A_179 = arith.constant 2.000000e+00 : f32
    %mul3A_180 = vector.broadcast %mul3A_179 : f32 to vector<16xf32>
    %mul3A_181 = arith.mulf %mul3A_180, %div3A_177 : vector<16xf32>
    %mul3A_182 = arith.constant 0.333333343 : f32
    %mul3A_183 = vector.broadcast %mul3A_182 : f32 to vector<16xf32>
    %mul3A_184 = arith.mulf %mul3A_178, %mul3A_183 : vector<16xf32>
    %add3A_185 = arith.constant 1.000000e+00 : f32
    %add3A_186 = vector.broadcast %add3A_185 : f32 to vector<16xf32>
    %add3A_187 = arith.addf %add3A_186, %mul3A_184 : vector<16xf32>
    %mul3A_188 = arith.mulf %mul3A_181, %add3A_187 : vector<16xf32>
    %convert_element_type3A_189 = arith.sitofp %select_n3A_170 : vector<16xi32> to vector<16xf32>
    %mul3A_190 = arith.constant 0.693147182 : f32
    %mul3A_191 = vector.broadcast %mul3A_190 : f32 to vector<16xf32>
    %mul3A_192 = arith.mulf %convert_element_type3A_189, %mul3A_191 : vector<16xf32>
    %add3A_193 = arith.addf %mul3A_192, %mul3A_188 : vector<16xf32>
    %jit3A_194 = arith.constant 0xFF800000 : f32
    %broadcast_in_dim3A_195 = vector.broadcast %jit3A_194 : f32 to vector<16xf32>
    %select_n3A_196 = arith.select %gt3A_145, %add3A_193, %broadcast_in_dim3A_195 : vector<16xi1>, vector<16xf32>
    %swap3A_197 = arith.constant 0 : i32
    %swap3A_198 = arith.index_cast %swap3A_197 : i32 to index
    %swap3A_199 = arith.constant 16 : index
    %swap3A_200 = tpu.vector_load %arg5[%swap3A_198, %swap3A_199] {strides = array<i32>} : memref<2x112xf32, #tpu.memory_space<vmem>>, vector<1x16xf32>,
    %swap3A_201 = vector.shape_cast %swap3A_200 : vector<1x16xf32> to vector<16xf32>
    %swap3A_202 = vector.shape_cast %select_n3A_196 : vector<16xf32> to vector<1x16xf32>
    tpu.vector_store %arg5[%swap3A_198, %swap3A_199], %swap3A_202 {strides = array<i32>} : memref<2x112xf32, #tpu.memory_space<vmem>>, vector<1x16xf32>,
    %mul3A_203 = arith.mulf %max3A_17, %div3A_77 : vector<16xf32>
    %swap3A_204 = arith.constant 1 : i32
    %swap3A_205 = arith.index_cast %swap3A_204 : i32 to index
    %swap3A_206 = arith.constant 32 : index
    %swap3A_207 = tpu.vector_load %arg5[%swap3A_205, %swap3A_206] {strides = array<i32>} : memref<2x112xf32, #tpu.memory_space<vmem>>, vector<1x16xf32>,
    %swap3A_208 = vector.shape_cast %swap3A_207 : vector<1x16xf32> to vector<16xf32>
    %swap3A_209 = vector.shape_cast %mul3A_203 : vector<16xf32> to vector<1x16xf32>
    tpu.vector_store %arg5[%swap3A_205, %swap3A_206], %swap3A_209 {strides = array<i32>} : memref<2x112xf32, #tpu.memory_space<vmem>>, vector<1x16xf32>,
    %gt3A_210 = arith.constant 0.000000e+00 : f32
    %gt3A_211 = vector.broadcast %gt3A_210 : f32 to vector<16xf32>
    %gt3A_212 = arith.cmpf ogt, %max3A_17, %gt3A_211 : vector<16xf32>
    %bitcast_convert_type3A_213 = tpu.bitcast %mul3A_203 : vector<16xf32> -> vector<16xi32>
    %shift_right_arithmetic3A_214 = arith.constant 23 : i32
    %shift_right_arithmetic3A_215 = vector.broadcast %shift_right_arithmetic3A_214 : i32 to vector<16xi32>
    %shift_right_arithmetic3A_216 = arith.shrsi %bitcast_convert_type3A_213, %shift_right_arithmetic3A_215 : vector<16xi32>
    %sub3A_217 = arith.constant 127 : i32
    %sub3A_218 = vector.broadcast %sub3A_217 : i32 to vector<16xi32>
    %sub3A_219 = arith.subi %shift_right_arithmetic3A_216, %sub3A_218 : vector<16xi32>
    %and3A_220 = arith.constant 8388607 : i32
    %and3A_221 = vector.broadcast %and3A_220 : i32 to vector<16xi32>
    %and3A_222 = arith.andi %bitcast_convert_type3A_213, %and3A_221 : vector<16xi32>
    %or3A_223 = arith.constant 1065353216 : i32
    %or3A_224 = vector.broadcast %or3A_223 : i32 to vector<16xi32>
    %or3A_225 = arith.ori %and3A_222, %or3A_224 : vector<16xi32>
    %bitcast_convert_type3A_226 = tpu.bitcast %or3A_225 : vector<16xi32> -> vector<16xf32>
    %gt3A_227 = arith.constant 1.41421354 : f32
    %gt3A_228 = vector.broadcast %gt3A_227 : f32 to vector<16xf32>
    %gt3A_229 = arith.cmpf ogt, %bitcast_convert_type3A_226, %gt3A_228 : vector<16xf32>
    %mul3A_230 = arith.constant 5.000000e-01 : f32
    %mul3A_231 = vector.broadcast %mul3A_230 : f32 to vector<16xf32>
    %mul3A_232 = arith.mulf %bitcast_convert_type3A_226, %mul3A_231 : vector<16xf32>
    %select_n3A_233 = arith.select %gt3A_229, %mul3A_232, %bitcast_convert_type3A_226 : vector<16xi1>, vector<16xf32>
    %add3A_234 = arith.constant 1 : i32
    %add3A_235 = vector.broadcast %add3A_234 : i32 to vector<16xi32>
    %add3A_236 = arith.addi %sub3A_219, %add3A_235 : vector<16xi32>
    %select_n3A_237 = arith.select %gt3A_229, %add3A_236, %sub3A_219 : vector<16xi1>, vector<16xi32>
    %sub3A_238 = arith.constant 1.000000e+00 : f32
    %sub3A_239 = vector.broadcast %sub3A_238 : f32 to vector<16xf32>
    %sub3A_240 = arith.subf %select_n3A_233, %sub3A_239 : vector<16xf32>
    %add3A_241 = arith.constant 1.000000e+00 : f32
    %add3A_242 = vector.broadcast %add3A_241 : f32 to vector<16xf32>
    %add3A_243 = arith.addf %select_n3A_233, %add3A_242 : vector<16xf32>
    %div3A_244 = arith.divf %sub3A_240, %add3A_243 : vector<16xf32>
    %mul3A_245 = arith.mulf %div3A_244, %div3A_244 : vector<16xf32>
    %mul3A_246 = arith.constant 2.000000e+00 : f32
    %mul3A_247 = vector.broadcast %mul3A_246 : f32 to vector<16xf32>
    %mul3A_248 = arith.mulf %mul3A_247, %div3A_244 : vector<16xf32>
    %mul3A_249 = arith.constant 0.333333343 : f32
    %mul3A_250 = vector.broadcast %mul3A_249 : f32 to vector<16xf32>
    %mul3A_251 = arith.mulf %mul3A_245, %mul3A_250 : vector<16xf32>
    %add3A_252 = arith.constant 1.000000e+00 : f32
    %add3A_253 = vector.broadcast %add3A_252 : f32 to vector<16xf32>
    %add3A_254 = arith.addf %add3A_253, %mul3A_251 : vector<16xf32>
    %mul3A_255 = arith.mulf %mul3A_248, %add3A_254 : vector<16xf32>
    %convert_element_type3A_256 = arith.sitofp %select_n3A_237 : vector<16xi32> to vector<16xf32>
    %mul3A_257 = arith.constant 0.693147182 : f32
    %mul3A_258 = vector.broadcast %mul3A_257 : f32 to vector<16xf32>
    %mul3A_259 = arith.mulf %convert_element_type3A_256, %mul3A_258 : vector<16xf32>
    %add3A_260 = arith.addf %mul3A_259, %mul3A_255 : vector<16xf32>
    %jit3A_261 = arith.constant 0xFF800000 : f32
    %broadcast_in_dim3A_262 = vector.broadcast %jit3A_261 : f32 to vector<16xf32>
    %select_n3A_263 = arith.select %gt3A_212, %add3A_260, %broadcast_in_dim3A_262 : vector<16xi1>, vector<16xf32>
    %swap3A_264 = arith.constant 0 : i32
    %swap3A_265 = arith.index_cast %swap3A_264 : i32 to index
    %swap3A_266 = arith.constant 32 : index
    %swap3A_267 = tpu.vector_load %arg5[%swap3A_265, %swap3A_266] {strides = array<i32>} : memref<2x112xf32, #tpu.memory_space<vmem>>, vector<1x16xf32>,
    %swap3A_268 = vector.shape_cast %swap3A_267 : vector<1x16xf32> to vector<16xf32>
    %swap3A_269 = vector.shape_cast %select_n3A_263 : vector<16xf32> to vector<1x16xf32>
    tpu.vector_store %arg5[%swap3A_265, %swap3A_266], %swap3A_269 {strides = array<i32>} : memref<2x112xf32, #tpu.memory_space<vmem>>, vector<1x16xf32>,
    %mul3A_270 = arith.mulf %max3A_24, %div3A_77 : vector<16xf32>
    %swap3A_271 = arith.constant 1 : i32
    %swap3A_272 = arith.index_cast %swap3A_271 : i32 to index
    %swap3A_273 = arith.constant 48 : index
    %swap3A_274 = tpu.vector_load %arg5[%swap3A_272, %swap3A_273] {strides = array<i32>} : memref<2x112xf32, #tpu.memory_space<vmem>>, vector<1x16xf32>,
    %swap3A_275 = vector.shape_cast %swap3A_274 : vector<1x16xf32> to vector<16xf32>
    %swap3A_276 = vector.shape_cast %mul3A_270 : vector<16xf32> to vector<1x16xf32>
    tpu.vector_store %arg5[%swap3A_272, %swap3A_273], %swap3A_276 {strides = array<i32>} : memref<2x112xf32, #tpu.memory_space<vmem>>, vector<1x16xf32>,
    %gt3A_277 = arith.constant 0.000000e+00 : f32
    %gt3A_278 = vector.broadcast %gt3A_277 : f32 to vector<16xf32>
    %gt3A_279 = arith.cmpf ogt, %max3A_24, %gt3A_278 : vector<16xf32>
    %bitcast_convert_type3A_280 = tpu.bitcast %mul3A_270 : vector<16xf32> -> vector<16xi32>
    %shift_right_arithmetic3A_281 = arith.constant 23 : i32
    %shift_right_arithmetic3A_282 = vector.broadcast %shift_right_arithmetic3A_281 : i32 to vector<16xi32>
    %shift_right_arithmetic3A_283 = arith.shrsi %bitcast_convert_type3A_280, %shift_right_arithmetic3A_282 : vector<16xi32>
    %sub3A_284 = arith.constant 127 : i32
    %sub3A_285 = vector.broadcast %sub3A_284 : i32 to vector<16xi32>
    %sub3A_286 = arith.subi %shift_right_arithmetic3A_283, %sub3A_285 : vector<16xi32>
    %and3A_287 = arith.constant 8388607 : i32
    %and3A_288 = vector.broadcast %and3A_287 : i32 to vector<16xi32>
    %and3A_289 = arith.andi %bitcast_convert_type3A_280, %and3A_288 : vector<16xi32>
    %or3A_290 = arith.constant 1065353216 : i32
    %or3A_291 = vector.broadcast %or3A_290 : i32 to vector<16xi32>
    %or3A_292 = arith.ori %and3A_289, %or3A_291 : vector<16xi32>
    %bitcast_convert_type3A_293 = tpu.bitcast %or3A_292 : vector<16xi32> -> vector<16xf32>
    %gt3A_294 = arith.constant 1.41421354 : f32
    %gt3A_295 = vector.broadcast %gt3A_294 : f32 to vector<16xf32>
    %gt3A_296 = arith.cmpf ogt, %bitcast_convert_type3A_293, %gt3A_295 : vector<16xf32>
    %mul3A_297 = arith.constant 5.000000e-01 : f32
    %mul3A_298 = vector.broadcast %mul3A_297 : f32 to vector<16xf32>
    %mul3A_299 = arith.mulf %bitcast_convert_type3A_293, %mul3A_298 : vector<16xf32>
    %select_n3A_300 = arith.select %gt3A_296, %mul3A_299, %bitcast_convert_type3A_293 : vector<16xi1>, vector<16xf32>
    %add3A_301 = arith.constant 1 : i32
    %add3A_302 = vector.broadcast %add3A_301 : i32 to vector<16xi32>
    %add3A_303 = arith.addi %sub3A_286, %add3A_302 : vector<16xi32>
    %select_n3A_304 = arith.select %gt3A_296, %add3A_303, %sub3A_286 : vector<16xi1>, vector<16xi32>
    %sub3A_305 = arith.constant 1.000000e+00 : f32
    %sub3A_306 = vector.broadcast %sub3A_305 : f32 to vector<16xf32>
    %sub3A_307 = arith.subf %select_n3A_300, %sub3A_306 : vector<16xf32>
    %add3A_308 = arith.constant 1.000000e+00 : f32
    %add3A_309 = vector.broadcast %add3A_308 : f32 to vector<16xf32>
    %add3A_310 = arith.addf %select_n3A_300, %add3A_309 : vector<16xf32>
    %div3A_311 = arith.divf %sub3A_307, %add3A_310 : vector<16xf32>
    %mul3A_312 = arith.mulf %div3A_311, %div3A_311 : vector<16xf32>
    %mul3A_313 = arith.constant 2.000000e+00 : f32
    %mul3A_314 = vector.broadcast %mul3A_313 : f32 to vector<16xf32>
    %mul3A_315 = arith.mulf %mul3A_314, %div3A_311 : vector<16xf32>
    %mul3A_316 = arith.constant 0.333333343 : f32
    %mul3A_317 = vector.broadcast %mul3A_316 : f32 to vector<16xf32>
    %mul3A_318 = arith.mulf %mul3A_312, %mul3A_317 : vector<16xf32>
    %add3A_319 = arith.constant 1.000000e+00 : f32
    %add3A_320 = vector.broadcast %add3A_319 : f32 to vector<16xf32>
    %add3A_321 = arith.addf %add3A_320, %mul3A_318 : vector<16xf32>
    %mul3A_322 = arith.mulf %mul3A_315, %add3A_321 : vector<16xf32>
    %convert_element_type3A_323 = arith.sitofp %select_n3A_304 : vector<16xi32> to vector<16xf32>
    %mul3A_324 = arith.constant 0.693147182 : f32
    %mul3A_325 = vector.broadcast %mul3A_324 : f32 to vector<16xf32>
    %mul3A_326 = arith.mulf %convert_element_type3A_323, %mul3A_325 : vector<16xf32>
    %add3A_327 = arith.addf %mul3A_326, %mul3A_322 : vector<16xf32>
    %jit3A_328 = arith.constant 0xFF800000 : f32
    %broadcast_in_dim3A_329 = vector.broadcast %jit3A_328 : f32 to vector<16xf32>
    %select_n3A_330 = arith.select %gt3A_279, %add3A_327, %broadcast_in_dim3A_329 : vector<16xi1>, vector<16xf32>
    %swap3A_331 = arith.constant 0 : i32
    %swap3A_332 = arith.index_cast %swap3A_331 : i32 to index
    %swap3A_333 = arith.constant 48 : index
    %swap3A_334 = tpu.vector_load %arg5[%swap3A_332, %swap3A_333] {strides = array<i32>} : memref<2x112xf32, #tpu.memory_space<vmem>>, vector<1x16xf32>,
    %swap3A_335 = vector.shape_cast %swap3A_334 : vector<1x16xf32> to vector<16xf32>
    %swap3A_336 = vector.shape_cast %select_n3A_330 : vector<16xf32> to vector<1x16xf32>
    tpu.vector_store %arg5[%swap3A_332, %swap3A_333], %swap3A_336 {strides = array<i32>} : memref<2x112xf32, #tpu.memory_space<vmem>>, vector<1x16xf32>,
    %mul3A_337 = arith.mulf %max3A_31, %div3A_77 : vector<16xf32>
    %swap3A_338 = arith.constant 1 : i32
    %swap3A_339 = arith.index_cast %swap3A_338 : i32 to index
    %swap3A_340 = arith.constant 64 : index
    %swap3A_341 = tpu.vector_load %arg5[%swap3A_339, %swap3A_340] {strides = array<i32>} : memref<2x112xf32, #tpu.memory_space<vmem>>, vector<1x16xf32>,
    %swap3A_342 = vector.shape_cast %swap3A_341 : vector<1x16xf32> to vector<16xf32>
    %swap3A_343 = vector.shape_cast %mul3A_337 : vector<16xf32> to vector<1x16xf32>
    tpu.vector_store %arg5[%swap3A_339, %swap3A_340], %swap3A_343 {strides = array<i32>} : memref<2x112xf32, #tpu.memory_space<vmem>>, vector<1x16xf32>,
    %gt3A_344 = arith.constant 0.000000e+00 : f32
    %gt3A_345 = vector.broadcast %gt3A_344 : f32 to vector<16xf32>
    %gt3A_346 = arith.cmpf ogt, %max3A_31, %gt3A_345 : vector<16xf32>
    %bitcast_convert_type3A_347 = tpu.bitcast %mul3A_337 : vector<16xf32> -> vector<16xi32>
    %shift_right_arithmetic3A_348 = arith.constant 23 : i32
    %shift_right_arithmetic3A_349 = vector.broadcast %shift_right_arithmetic3A_348 : i32 to vector<16xi32>
    %shift_right_arithmetic3A_350 = arith.shrsi %bitcast_convert_type3A_347, %shift_right_arithmetic3A_349 : vector<16xi32>
    %sub3A_351 = arith.constant 127 : i32
    %sub3A_352 = vector.broadcast %sub3A_351 : i32 to vector<16xi32>
    %sub3A_353 = arith.subi %shift_right_arithmetic3A_350, %sub3A_352 : vector<16xi32>
    %and3A_354 = arith.constant 8388607 : i32
    %and3A_355 = vector.broadcast %and3A_354 : i32 to vector<16xi32>
    %and3A_356 = arith.andi %bitcast_convert_type3A_347, %and3A_355 : vector<16xi32>
    %or3A_357 = arith.constant 1065353216 : i32
    %or3A_358 = vector.broadcast %or3A_357 : i32 to vector<16xi32>
    %or3A_359 = arith.ori %and3A_356, %or3A_358 : vector<16xi32>
    %bitcast_convert_type3A_360 = tpu.bitcast %or3A_359 : vector<16xi32> -> vector<16xf32>
    %gt3A_361 = arith.constant 1.41421354 : f32
    %gt3A_362 = vector.broadcast %gt3A_361 : f32 to vector<16xf32>
    %gt3A_363 = arith.cmpf ogt, %bitcast_convert_type3A_360, %gt3A_362 : vector<16xf32>
    %mul3A_364 = arith.constant 5.000000e-01 : f32
    %mul3A_365 = vector.broadcast %mul3A_364 : f32 to vector<16xf32>
    %mul3A_366 = arith.mulf %bitcast_convert_type3A_360, %mul3A_365 : vector<16xf32>
    %select_n3A_367 = arith.select %gt3A_363, %mul3A_366, %bitcast_convert_type3A_360 : vector<16xi1>, vector<16xf32>
    %add3A_368 = arith.constant 1 : i32
    %add3A_369 = vector.broadcast %add3A_368 : i32 to vector<16xi32>
    %add3A_370 = arith.addi %sub3A_353, %add3A_369 : vector<16xi32>
    %select_n3A_371 = arith.select %gt3A_363, %add3A_370, %sub3A_353 : vector<16xi1>, vector<16xi32>
    %sub3A_372 = arith.constant 1.000000e+00 : f32
    %sub3A_373 = vector.broadcast %sub3A_372 : f32 to vector<16xf32>
    %sub3A_374 = arith.subf %select_n3A_367, %sub3A_373 : vector<16xf32>
    %add3A_375 = arith.constant 1.000000e+00 : f32
    %add3A_376 = vector.broadcast %add3A_375 : f32 to vector<16xf32>
    %add3A_377 = arith.addf %select_n3A_367, %add3A_376 : vector<16xf32>
    %div3A_378 = arith.divf %sub3A_374, %add3A_377 : vector<16xf32>
    %mul3A_379 = arith.mulf %div3A_378, %div3A_378 : vector<16xf32>
    %mul3A_380 = arith.constant 2.000000e+00 : f32
    %mul3A_381 = vector.broadcast %mul3A_380 : f32 to vector<16xf32>
    %mul3A_382 = arith.mulf %mul3A_381, %div3A_378 : vector<16xf32>
    %mul3A_383 = arith.constant 0.333333343 : f32
    %mul3A_384 = vector.broadcast %mul3A_383 : f32 to vector<16xf32>
    %mul3A_385 = arith.mulf %mul3A_379, %mul3A_384 : vector<16xf32>
    %add3A_386 = arith.constant 1.000000e+00 : f32
    %add3A_387 = vector.broadcast %add3A_386 : f32 to vector<16xf32>
    %add3A_388 = arith.addf %add3A_387, %mul3A_385 : vector<16xf32>
    %mul3A_389 = arith.mulf %mul3A_382, %add3A_388 : vector<16xf32>
    %convert_element_type3A_390 = arith.sitofp %select_n3A_371 : vector<16xi32> to vector<16xf32>
    %mul3A_391 = arith.constant 0.693147182 : f32
    %mul3A_392 = vector.broadcast %mul3A_391 : f32 to vector<16xf32>
    %mul3A_393 = arith.mulf %convert_element_type3A_390, %mul3A_392 : vector<16xf32>
    %add3A_394 = arith.addf %mul3A_393, %mul3A_389 : vector<16xf32>
    %jit3A_395 = arith.constant 0xFF800000 : f32
    %broadcast_in_dim3A_396 = vector.broadcast %jit3A_395 : f32 to vector<16xf32>
    %select_n3A_397 = arith.select %gt3A_346, %add3A_394, %broadcast_in_dim3A_396 : vector<16xi1>, vector<16xf32>
    %swap3A_398 = arith.constant 0 : i32
    %swap3A_399 = arith.index_cast %swap3A_398 : i32 to index
    %swap3A_400 = arith.constant 64 : index
    %swap3A_401 = tpu.vector_load %arg5[%swap3A_399, %swap3A_400] {strides = array<i32>} : memref<2x112xf32, #tpu.memory_space<vmem>>, vector<1x16xf32>,
    %swap3A_402 = vector.shape_cast %swap3A_401 : vector<1x16xf32> to vector<16xf32>
    %swap3A_403 = vector.shape_cast %select_n3A_397 : vector<16xf32> to vector<1x16xf32>
    tpu.vector_store %arg5[%swap3A_399, %swap3A_400], %swap3A_403 {strides = array<i32>} : memref<2x112xf32, #tpu.memory_space<vmem>>, vector<1x16xf32>,
    %mul3A_404 = arith.mulf %max3A_38, %div3A_77 : vector<16xf32>
    %swap3A_405 = arith.constant 1 : i32
    %swap3A_406 = arith.index_cast %swap3A_405 : i32 to index
    %swap3A_407 = arith.constant 80 : index
    %swap3A_408 = tpu.vector_load %arg5[%swap3A_406, %swap3A_407] {strides = array<i32>} : memref<2x112xf32, #tpu.memory_space<vmem>>, vector<1x16xf32>,
    %swap3A_409 = vector.shape_cast %swap3A_408 : vector<1x16xf32> to vector<16xf32>
    %swap3A_410 = vector.shape_cast %mul3A_404 : vector<16xf32> to vector<1x16xf32>
    tpu.vector_store %arg5[%swap3A_406, %swap3A_407], %swap3A_410 {strides = array<i32>} : memref<2x112xf32, #tpu.memory_space<vmem>>, vector<1x16xf32>,
    %gt3A_411 = arith.constant 0.000000e+00 : f32
    %gt3A_412 = vector.broadcast %gt3A_411 : f32 to vector<16xf32>
    %gt3A_413 = arith.cmpf ogt, %max3A_38, %gt3A_412 : vector<16xf32>
    %bitcast_convert_type3A_414 = tpu.bitcast %mul3A_404 : vector<16xf32> -> vector<16xi32>
    %shift_right_arithmetic3A_415 = arith.constant 23 : i32
    %shift_right_arithmetic3A_416 = vector.broadcast %shift_right_arithmetic3A_415 : i32 to vector<16xi32>
    %shift_right_arithmetic3A_417 = arith.shrsi %bitcast_convert_type3A_414, %shift_right_arithmetic3A_416 : vector<16xi32>
    %sub3A_418 = arith.constant 127 : i32
    %sub3A_419 = vector.broadcast %sub3A_418 : i32 to vector<16xi32>
    %sub3A_420 = arith.subi %shift_right_arithmetic3A_417, %sub3A_419 : vector<16xi32>
    %and3A_421 = arith.constant 8388607 : i32
    %and3A_422 = vector.broadcast %and3A_421 : i32 to vector<16xi32>
    %and3A_423 = arith.andi %bitcast_convert_type3A_414, %and3A_422 : vector<16xi32>
    %or3A_424 = arith.constant 1065353216 : i32
    %or3A_425 = vector.broadcast %or3A_424 : i32 to vector<16xi32>
    %or3A_426 = arith.ori %and3A_423, %or3A_425 : vector<16xi32>
    %bitcast_convert_type3A_427 = tpu.bitcast %or3A_426 : vector<16xi32> -> vector<16xf32>
    %gt3A_428 = arith.constant 1.41421354 : f32
    %gt3A_429 = vector.broadcast %gt3A_428 : f32 to vector<16xf32>
    %gt3A_430 = arith.cmpf ogt, %bitcast_convert_type3A_427, %gt3A_429 : vector<16xf32>
    %mul3A_431 = arith.constant 5.000000e-01 : f32
    %mul3A_432 = vector.broadcast %mul3A_431 : f32 to vector<16xf32>
    %mul3A_433 = arith.mulf %bitcast_convert_type3A_427, %mul3A_432 : vector<16xf32>
    %select_n3A_434 = arith.select %gt3A_430, %mul3A_433, %bitcast_convert_type3A_427 : vector<16xi1>, vector<16xf32>
    %add3A_435 = arith.constant 1 : i32
    %add3A_436 = vector.broadcast %add3A_435 : i32 to vector<16xi32>
    %add3A_437 = arith.addi %sub3A_420, %add3A_436 : vector<16xi32>
    %select_n3A_438 = arith.select %gt3A_430, %add3A_437, %sub3A_420 : vector<16xi1>, vector<16xi32>
    %sub3A_439 = arith.constant 1.000000e+00 : f32
    %sub3A_440 = vector.broadcast %sub3A_439 : f32 to vector<16xf32>
    %sub3A_441 = arith.subf %select_n3A_434, %sub3A_440 : vector<16xf32>
    %add3A_442 = arith.constant 1.000000e+00 : f32
    %add3A_443 = vector.broadcast %add3A_442 : f32 to vector<16xf32>
    %add3A_444 = arith.addf %select_n3A_434, %add3A_443 : vector<16xf32>
    %div3A_445 = arith.divf %sub3A_441, %add3A_444 : vector<16xf32>
    %mul3A_446 = arith.mulf %div3A_445, %div3A_445 : vector<16xf32>
    %mul3A_447 = arith.constant 2.000000e+00 : f32
    %mul3A_448 = vector.broadcast %mul3A_447 : f32 to vector<16xf32>
    %mul3A_449 = arith.mulf %mul3A_448, %div3A_445 : vector<16xf32>
    %mul3A_450 = arith.constant 0.333333343 : f32
    %mul3A_451 = vector.broadcast %mul3A_450 : f32 to vector<16xf32>
    %mul3A_452 = arith.mulf %mul3A_446, %mul3A_451 : vector<16xf32>
    %add3A_453 = arith.constant 1.000000e+00 : f32
    %add3A_454 = vector.broadcast %add3A_453 : f32 to vector<16xf32>
    %add3A_455 = arith.addf %add3A_454, %mul3A_452 : vector<16xf32>
    %mul3A_456 = arith.mulf %mul3A_449, %add3A_455 : vector<16xf32>
    %convert_element_type3A_457 = arith.sitofp %select_n3A_438 : vector<16xi32> to vector<16xf32>
    %mul3A_458 = arith.constant 0.693147182 : f32
    %mul3A_459 = vector.broadcast %mul3A_458 : f32 to vector<16xf32>
    %mul3A_460 = arith.mulf %convert_element_type3A_457, %mul3A_459 : vector<16xf32>
    %add3A_461 = arith.addf %mul3A_460, %mul3A_456 : vector<16xf32>
    %jit3A_462 = arith.constant 0xFF800000 : f32
    %broadcast_in_dim3A_463 = vector.broadcast %jit3A_462 : f32 to vector<16xf32>
    %select_n3A_464 = arith.select %gt3A_413, %add3A_461, %broadcast_in_dim3A_463 : vector<16xi1>, vector<16xf32>
    %swap3A_465 = arith.constant 0 : i32
    %swap3A_466 = arith.index_cast %swap3A_465 : i32 to index
    %swap3A_467 = arith.constant 80 : index
    %swap3A_468 = tpu.vector_load %arg5[%swap3A_466, %swap3A_467] {strides = array<i32>} : memref<2x112xf32, #tpu.memory_space<vmem>>, vector<1x16xf32>,
    %swap3A_469 = vector.shape_cast %swap3A_468 : vector<1x16xf32> to vector<16xf32>
    %swap3A_470 = vector.shape_cast %select_n3A_464 : vector<16xf32> to vector<1x16xf32>
    tpu.vector_store %arg5[%swap3A_466, %swap3A_467], %swap3A_470 {strides = array<i32>} : memref<2x112xf32, #tpu.memory_space<vmem>>, vector<1x16xf32>,
    %mul3A_471 = arith.mulf %select_n3A, %div3A_77 : vector<16xf32>
    %swap3A_472 = arith.constant 1 : i32
    %swap3A_473 = arith.index_cast %swap3A_472 : i32 to index
    %swap3A_474 = arith.constant 96 : index
    %swap3A_475 = tpu.vector_load %arg5[%swap3A_473, %swap3A_474] {strides = array<i32>} : memref<2x112xf32, #tpu.memory_space<vmem>>, vector<1x16xf32>,
    %swap3A_476 = vector.shape_cast %swap3A_475 : vector<1x16xf32> to vector<16xf32>
    %swap3A_477 = vector.shape_cast %mul3A_471 : vector<16xf32> to vector<1x16xf32>
    tpu.vector_store %arg5[%swap3A_473, %swap3A_474], %swap3A_477 {strides = array<i32>} : memref<2x112xf32, #tpu.memory_space<vmem>>, vector<1x16xf32>,
    %gt3A_478 = arith.constant 0.000000e+00 : f32
    %gt3A_479 = vector.broadcast %gt3A_478 : f32 to vector<16xf32>
    %gt3A_480 = arith.cmpf ogt, %select_n3A, %gt3A_479 : vector<16xf32>
    %bitcast_convert_type3A_481 = tpu.bitcast %mul3A_471 : vector<16xf32> -> vector<16xi32>
    %shift_right_arithmetic3A_482 = arith.constant 23 : i32
    %shift_right_arithmetic3A_483 = vector.broadcast %shift_right_arithmetic3A_482 : i32 to vector<16xi32>
    %shift_right_arithmetic3A_484 = arith.shrsi %bitcast_convert_type3A_481, %shift_right_arithmetic3A_483 : vector<16xi32>
    %sub3A_485 = arith.constant 127 : i32
    %sub3A_486 = vector.broadcast %sub3A_485 : i32 to vector<16xi32>
    %sub3A_487 = arith.subi %shift_right_arithmetic3A_484, %sub3A_486 : vector<16xi32>
    %and3A_488 = arith.constant 8388607 : i32
    %and3A_489 = vector.broadcast %and3A_488 : i32 to vector<16xi32>
    %and3A_490 = arith.andi %bitcast_convert_type3A_481, %and3A_489 : vector<16xi32>
    %or3A_491 = arith.constant 1065353216 : i32
    %or3A_492 = vector.broadcast %or3A_491 : i32 to vector<16xi32>
    %or3A_493 = arith.ori %and3A_490, %or3A_492 : vector<16xi32>
    %bitcast_convert_type3A_494 = tpu.bitcast %or3A_493 : vector<16xi32> -> vector<16xf32>
    %gt3A_495 = arith.constant 1.41421354 : f32
    %gt3A_496 = vector.broadcast %gt3A_495 : f32 to vector<16xf32>
    %gt3A_497 = arith.cmpf ogt, %bitcast_convert_type3A_494, %gt3A_496 : vector<16xf32>
    %mul3A_498 = arith.constant 5.000000e-01 : f32
    %mul3A_499 = vector.broadcast %mul3A_498 : f32 to vector<16xf32>
    %mul3A_500 = arith.mulf %bitcast_convert_type3A_494, %mul3A_499 : vector<16xf32>
    %select_n3A_501 = arith.select %gt3A_497, %mul3A_500, %bitcast_convert_type3A_494 : vector<16xi1>, vector<16xf32>
    %add3A_502 = arith.constant 1 : i32
    %add3A_503 = vector.broadcast %add3A_502 : i32 to vector<16xi32>
    %add3A_504 = arith.addi %sub3A_487, %add3A_503 : vector<16xi32>
    %select_n3A_505 = arith.select %gt3A_497, %add3A_504, %sub3A_487 : vector<16xi1>, vector<16xi32>
    %sub3A_506 = arith.constant 1.000000e+00 : f32
    %sub3A_507 = vector.broadcast %sub3A_506 : f32 to vector<16xf32>
    %sub3A_508 = arith.subf %select_n3A_501, %sub3A_507 : vector<16xf32>
    %add3A_509 = arith.constant 1.000000e+00 : f32
    %add3A_510 = vector.broadcast %add3A_509 : f32 to vector<16xf32>
    %add3A_511 = arith.addf %select_n3A_501, %add3A_510 : vector<16xf32>
    %div3A_512 = arith.divf %sub3A_508, %add3A_511 : vector<16xf32>
    %mul3A_513 = arith.mulf %div3A_512, %div3A_512 : vector<16xf32>
    %mul3A_514 = arith.constant 2.000000e+00 : f32
    %mul3A_515 = vector.broadcast %mul3A_514 : f32 to vector<16xf32>
    %mul3A_516 = arith.mulf %mul3A_515, %div3A_512 : vector<16xf32>
    %mul3A_517 = arith.constant 0.333333343 : f32
    %mul3A_518 = vector.broadcast %mul3A_517 : f32 to vector<16xf32>
    %mul3A_519 = arith.mulf %mul3A_513, %mul3A_518 : vector<16xf32>
    %add3A_520 = arith.constant 1.000000e+00 : f32
    %add3A_521 = vector.broadcast %add3A_520 : f32 to vector<16xf32>
    %add3A_522 = arith.addf %add3A_521, %mul3A_519 : vector<16xf32>
    %mul3A_523 = arith.mulf %mul3A_516, %add3A_522 : vector<16xf32>
    %convert_element_type3A_524 = arith.sitofp %select_n3A_505 : vector<16xi32> to vector<16xf32>
    %mul3A_525 = arith.constant 0.693147182 : f32
    %mul3A_526 = vector.broadcast %mul3A_525 : f32 to vector<16xf32>
    %mul3A_527 = arith.mulf %convert_element_type3A_524, %mul3A_526 : vector<16xf32>
    %add3A_528 = arith.addf %mul3A_527, %mul3A_523 : vector<16xf32>
    %jit3A_529 = arith.constant 0xFF800000 : f32
    %broadcast_in_dim3A_530 = vector.broadcast %jit3A_529 : f32 to vector<16xf32>
    %select_n3A_531 = arith.select %gt3A_480, %add3A_528, %broadcast_in_dim3A_530 : vector<16xi1>, vector<16xf32>
    %swap3A_532 = arith.constant 0 : i32
    %swap3A_533 = arith.index_cast %swap3A_532 : i32 to index
    %swap3A_534 = arith.constant 96 : index
    %swap3A_535 = tpu.vector_load %arg5[%swap3A_533, %swap3A_534] {strides = array<i32>} : memref<2x112xf32, #tpu.memory_space<vmem>>, vector<1x16xf32>,
    %swap3A_536 = vector.shape_cast %swap3A_535 : vector<1x16xf32> to vector<16xf32>
    %swap3A_537 = vector.shape_cast %select_n3A_531 : vector<16xf32> to vector<1x16xf32>
    tpu.vector_store %arg5[%swap3A_533, %swap3A_534], %swap3A_537 {strides = array<i32>} : memref<2x112xf32, #tpu.memory_space<vmem>>, vector<1x16xf32>,
    tpu.enqueue_dma source(%arg5 : memref<2x112xf32, #tpu.memory_space<vmem>>) target(%arg3 : memref<2x112xf32, #tpu.memory_space<hbm>>) target_semaphore(%arg6 : memref<!tpu.dma_semaphore, #tpu.memory_space<semaphore_mem>>)
    tpu.wait_dma2 semaphore(%arg6 : memref<!tpu.dma_semaphore, #tpu.memory_space<semaphore_mem>>) src(%arg5 : memref<2x112xf32, #tpu.memory_space<vmem>>) dst(%arg3 : memref<2x112xf32, #tpu.memory_space<hbm>>)
    return
  }
}

</mosaic_0001>

<sc_bundles>
// kernel: kernel.3.cloned.1.call-start
scs
__scs_entry_jumppad:
0x0: {  	(pc) =	sbr.rel $0x88, $3  }
0x1: {  	(tag) =	ssettag $0x0;
	lr =	simm.s32 $0x1  }
0x2: {  	[smem:$0x3FA0] =	sst lr;
	_ =	strace $0xD0000000  }
0x3: {  	_ = 	snop  }
0x4: {  	_ = 	snop  }
0x5: {  	_ = 	snop  }
0x6: {  	_ = 	snop  }
0x7: {  	_ = 	snop  }
__scs_overlays_trampoline_lowered:
0x8: {  	[smem:$0x3FAF] =	sst s0  }
0x9: {  	[smem:$0x3FB0] =	sst s1  }
0xa: {  	[smem:$0x3FB1] =	sst s2  }
0xb: {  	[smem:$0x3FB2] =	sst s3  }
0xc: {  	[smem:$0x3FB3] =	sst s4  }
0xd: {  	[smem:$0x3FB4] =	sst s5  }
0xe: {  	[smem:$0x3FB5] =	sst s6  }
0xf: {  	[smem:$0x3FB6] =	sst s7  }
0x10: {  	[smem:$0x3FB7] =	sst s8  }
0x11: {  	[smem:$0x3FB8] =	sst s9;
	s0 =	simm.s32 @!p0 $0x0  }
0x12: {  	s1 =	sld [smem:$0x3F9E];
	s0 =	simm.s32 @p0 $0x1  }
0x13: {  	[smem:$0x3FB9] =	sst s0;
	s0 =	simm.s32 @!p1 $0x0  }
0x14: {  	s2 =	sld [smem:$0x3F9D];
	s0 =	simm.s32 @p1 $0x1  }
0x15: {  	[smem:$0x3FBA] =	sst s0;
	s0 =	simm.s32 @!p2 $0x0  }
0x16: {  	s3 =	sld [smem:$0x3FDB];
	s0 =	simm.s32 @p2 $0x1  }
0x17: {  	s4 =	simm.s32 $0x1BF5;
	[smem:$0x3FBC] =	sst s0  }
0x18: {  	s0 =	sld [smem:$0x3F9F];
	_ =	swait.ge [sflag:s4], $0x0  }
0x19: {  	s7 =	sld [smem:$0x3FA0]  }
0x1a: {  	s8 =	sadd.s32 $0xFFFFE003, lr  }
0x1b: {  	s9 =	sadd.s32 $0xFFFFFEF7, lr;
	s5 =	simm.s32 $0xFFFFFFFF;
	p2 =	slt.u32 s8, $0xFFFFF086  }
0x1c: {  	p1 =	slt.u32 s9, $0xF7A;
	s5 =	simm.s32 @!p2 $0x0  }
0x1d: {  	s5 =	simm.s32 @p1 $0x1;
	p0 =	seq.s32 s7, s2  }
0x1e: {  	s7 =	smul.u32 @!p0 $0xF7A, s2;
	p2 =	seq.s32 @!p0 s5, $0x0  }
0x1f: {  	s9 =	smul.u32 $0xF7A, s1;
	s8 =	simm.s32 @!p0 $0x1BF5;
	p2 =	por !p2, p0  }
0x20: {  	[sflag:s8] =	ssyncset.s32 @!p0 $0xFFFFF086;
	s6 =	sadd.s32 @!p0 s3, s7;
	s7 =	simm.s32 @!p0 $0x108  }
0x21: {  	s3 =	sadd.s32 s3, s9;
	s6 =	sadd.s32 @!p0 $0x88, s6;
	s7 =	simm.s32 @p2 $0x1082  }
0x22: {  	[simem:s7], [sflag:s8] =	dma.local @!p0 [hbm:s6], $0xF7A  }
0x23: {  	s9 =	sor.u32 $0xD0000000, s2;
	s6 =	simm.s32 $0x108;
	_ =	swait.ge @!p0 [sflag:s8], $0x0  }
0x24: {  	s3 =	sadd.s32 $0x88, s3;
	s6 =	simm.s32 @!p1 $0x1082;
	[sflag:s4] =	ssyncset.s32 $0xFFFFF086  }
0x25: {  	[simem:s6], [sflag:s4] =	dma.local [hbm:s3], $0xF7A  }
0x26: {  	[smem:$0x3FA0] =	sst s1;
	(tag) =	ssettag s2;
	_ =	strace s9  }
0x27: {  	s1 =	sld [smem:$0x3FB0]  }
0x28: {  	s2 =	sld [smem:$0x3FB1]  }
0x29: {  	s4 =	sld [smem:$0x3FB3]  }
0x2a: {  	p0 =	seq.s32 s5, $0x0;
	s5 =	sld [smem:$0x3FB4]  }
0x2b: {  	s6 =	sld [smem:$0x3FB5]  }
0x2c: {  	s7 =	sld [smem:$0x3FB6]  }
0x2d: {  	s3 =	simm.s32 $0x108;
	s8 =	sld [smem:$0x3FB7]  }
0x2e: {  	s3 =	simm.s32 @!p0 $0x1082;
	s9 =	sld [smem:$0x3FB8]  }
0x2f: {  	lr =	sadd.s32 s0, s3;
	s0 =	sld [smem:$0x3FAF]  }
0x30: {  	s3 =	sld [smem:$0x3FB2]  }
0x31: {  	[smem:$0x3FBB] =	sst s10  }
0x32: {  	s10 =	sld [smem:$0x3FB9];
	_ =	sdelay $0x3  }
0x33: {  	p0 =	seq.s32 s10, $0x1;
	s10 =	sld [smem:$0x3FBB];
	_ =	sdelay $0x3  }
0x34: {  	[smem:$0x3FBB] =	sst s10  }
0x35: {  	s10 =	sld [smem:$0x3FBA];
	_ =	sdelay $0x3  }
0x36: {  	p1 =	seq.s32 s10, $0x1;
	s10 =	sld [smem:$0x3FBB];
	_ =	sdelay $0x3  }
0x37: {  	[smem:$0x3FBB] =	sst s10  }
0x38: {  	s10 =	sld [smem:$0x3FBC]  }
0x39: {  	_ = 	snop;
	(pc) =	sbr.ind lr, $3  }
0x3a: {  	_ = 	snop  }
0x3b: {  	_ = 	snop  }
0x3c: {  	p2 =	seq.s32 s10, $0x1;
	s10 =	sld [smem:$0x3FBB]  }
0x3d: {  	_ =	shalt  }
0x3e: {  	_ =	shalt  }
0x3f: {  	_ =	shalt  }
0x40: {  	_ =	shalt  }
0x41: {  	_ =	shalt  }
0x42: {  	_ =	shalt  }
0x43: {  	_ =	shalt  }
0x44: {  	_ =	shalt  }
0x45: {  	_ =	shalt  }
0x46: {  	_ =	shalt  }
0x47: {  	_ =	shalt  }
0x48: {  	_ =	shalt  }
0x49: {  	_ =	shalt  }
0x4a: {  	_ =	shalt  }
0x4b: {  	_ =	shalt  }
0x4c: {  	_ =	shalt  }
0x4d: {  	_ =	shalt  }
0x4e: {  	_ =	shalt  }
0x4f: {  	_ =	shalt  }
0x50: {  	_ =	shalt  }
0x51: {  	_ =	shalt  }
0x52: {  	_ =	shalt  }
0x53: {  	_ =	shalt  }
0x54: {  	_ =	shalt  }
0x55: {  	_ =	shalt  }
0x56: {  	_ =	shalt  }
0x57: {  	_ =	shalt  }
0x58: {  	_ =	shalt  }
0x59: {  	_ =	shalt  }
0x5a: {  	_ =	shalt  }
0x5b: {  	_ =	shalt  }
0x5c: {  	_ =	shalt  }
0x5d: {  	_ =	shalt  }
0x5e: {  	_ =	shalt  }
0x5f: {  	_ =	shalt  }
0x60: {  	_ =	shalt  }
0x61: {  	_ =	shalt  }
0x62: {  	_ =	shalt  }
0x63: {  	_ =	shalt  }
0x64: {  	_ =	shalt  }
0x65: {  	_ =	shalt  }
0x66: {  	_ =	shalt  }
0x67: {  	_ =	shalt  }
0x68: {  	_ =	shalt  }
0x69: {  	_ =	shalt  }
0x6a: {  	_ =	shalt  }
0x6b: {  	_ =	shalt  }
0x6c: {  	_ =	shalt  }
0x6d: {  	_ =	shalt  }
0x6e: {  	_ =	shalt  }
0x6f: {  	_ =	shalt  }
0x70: {  	_ =	shalt  }
0x71: {  	_ =	shalt  }
0x72: {  	_ =	shalt  }
0x73: {  	_ =	shalt  }
0x74: {  	_ =	shalt  }
0x75: {  	_ =	shalt  }
0x76: {  	_ =	shalt  }
0x77: {  	_ =	shalt  }
0x78: {  	_ =	shalt  }
0x79: {  	_ =	shalt  }
0x7a: {  	_ =	shalt  }
0x7b: {  	_ =	shalt  }
0x7c: {  	_ =	shalt  }
0x7d: {  	_ =	shalt  }
0x7e: {  	_ =	shalt  }
0x7f: {  	_ =	shalt  }
0x80: {  	_ =	shalt  }
0x81: {  	_ =	shalt  }
0x82: {  	_ =	shalt  }
0x83: {  	_ =	shalt  }
0x84: {  	_ =	shalt  }
0x85: {  	_ =	shalt  }
0x86: {  	_ =	shalt  }
0x87: {  	_ =	shalt  }
.Lfunc_end0:
.L_simem_size_0:
called_computation_lowered:
.L_overlay_start_0:
0x88: {  	s0 =	sld [smem:$0x3FD9]  }
0x89: {  	s1 =	sld [smem:$0x3FFE];
	_ =	sdelay $0x3  }
0x8a: {  	s0 =	sadd.s32 s1, s0  }
0x8b: {  	[smem:$0x3FC7] =	sst s0  }
0x8c: {  	_ = 	snop  }
0x8d: {  	s0 =	sld [smem:$0x3FC9];
	(tm) =	ssettm $0x1  }
0x8e: {  	s16 =	sld [smem:$0x3FFB];
	_ =	sdelay $0x3  }
0x8f: {  	_ =	strace s16  }
0x90: {  	s1 =	sld [smem:$0x3FFC];
	_ =	sdelay $0x3  }
0x91: {  	_ =	strace s1  }
0x92: {  	s1 =	sld [smem:$0x3FFD];
	_ =	sdelay $0x3  }
0x93: {  	_ =	strace s1  }
0x94: {  	_ =	strace $0x8FFFFFFF  }
0x95: {  	s17 =	sld [smem:$0x3FDB];
	_ =	sdelay $0x1  }
0x96: {  	s2 =	simm.s32 $_scs_section_size  }
0x97: {  	s3 =	simm.s32 $_size__tile_overlayer_lowered;
	s4 =	simm.s32 $_tile_overlayer_lowered  }
0x98: {  	s20 =	simm.s32 $0x1BFF;
	s19 =	sshll.u32 s4, $0x1;
	s1 =	sadd.s32 s2, s17  }
0x99: {  	s5 =	simm.s32 $0x0;
	s18 =	sshll.u32 s3, $0x1;
	s3 =	sadd.s32 s19, s1  }
0x9a: {  	[timem:s5], [sflag:s20] =	dma.local [hbm:s3], s18  }
0x9b: {  	_ =	swait.ge [sflag:s20], s18  }
0x9c: {  	s2 =	ssub.s32 $0x0, s18;
	[sflag:s20] =	ssyncset.done $0x0  }
0x9d: {  	[sflag:s20] =	ssyncadd.s32 s2;
	_ =	sdelay $0x1  }
0x9e: {  	s21 =	simm.s32 $0x1B8B  }
0x9f: {  	_ =	swait.ge [sflag:s21], $0x1  }
0xa0: {  	[sflag:s21] =	ssyncset.done $0x0  }
0xa1: {  	s23 =	simm.s32 $0x1B8E;
	s22 =	sld [smem:$0x3FFE];
	[sflag:s21] =	ssyncadd.s32 $0xFFFFFFFF  }
0xa2: {  	s24 =	simm.s32 $execute0_lowered;
	[smem:$0x3FD2] =	sst s23  }
0xa3: {  	s3 =	sshll.u32 s24, $0x1;
	_ =	strace $0x80000046;
	[dreg:$0x1] =	wrdreg $0xFFFFFFFF  }
0xa4: {  	s25 =	simm.s32 $_size_execute0_lowered;
	s1 =	sadd.s32 s1, s3;
	[dreg:$0x0] =	wrdreg $0x0  }
0xa5: {  	s3 =	sshll.u32 s25, $0x1;
	[dreg:$0x2] =	wrdreg s1  }
0xa6: {  	[dreg:$0x3] =	wrdreg s3  }
0xa7: {  	[dreg:$0x4] =	wrdreg $0xC0  }
0xa8: {  	_ =	task [dreg:s5], $0x5FFFF  }
0xa9: {  	[dreg:$0x1] =	wrdreg $0xFFFFFFFF  }
0xaa: {  	[dreg:$0x0] =	wrdreg $0x60  }
0xab: {  	[dreg:$0x2] =	wrdreg s0  }
0xac: {  	[dreg:$0x3] =	wrdreg s22  }
0xad: {  	[dreg:$0x4] =	wrdreg $0x9  }
0xae: {  	_ =	task.clear_ibuf [dreg:s5], $0x5FFFF;
	_ =	strace $0x90000046  }
0xaf: {  	s26 =	simm.s32 $0x9;
	_ =	strace $0x80000048  }
0xb0: {  	_ =	swait.ge [sflag:s26], $0x1  }
0xb1: {  	[sflag:s26] =	ssyncadd.s32 $0xFFFFFFFF  }
0xb2: {  	_ =	strace $0x90000048  }
0xb3: {  	_ =	sfence  }
0xb4: {  	s28 =	sld [smem:$0x0];
	_ =	sdelay $0x1  }
0xb5: {  	s29 =	srdreg.scid  }
0xb6: {  	s30 =	sshll.u32 s29, $0xD;
	s31 =	sshrl.u32 s29, $0x2  }
0xb7: {  	s2 =	sand.u32 $0x4000, s30;
	s1 =	sand.u32 $0x1, s29;
	s0 =	sadd.s32 s31, s28  }
0xb8: {  	s1 =	sor.u32 s2, s1;
	s0 =	sshll.u32 s0, $0x11  }
0xb9: {  	s0 =	sor.u32 s0, s1  }
0xba: {  	s0 =	sadd.s32 $0x8F2B, s0  }
0xbb: {  	[sflag:s0] =	ssyncadd.remote.s32 $0x1  }
0xbc: {  	_ =	sfence.sel $0xFFFF  }
0xbd: {  	[dreg:$0x0] =	wrdreg $0xFFFFFFFF;
	(pc) =	sbr.abs _section_cstart, $3  }
0xbe: {  	[dreg:$0x1] =	wrdreg $0xFFFFFFFF  }
0xbf: {  	_ =	task.clear_ibuf [dreg:s5], $0x2FFFF;
	_ =	strace $0x9FFFFFFF  }
0xc0: {  	(tm) =	ssettm $0x7FFFFFFF  }
0xc1: {  	_ =	shalt  }
tec
execute0_lowered:
.L_overlay_start_1:
0x0: {  	(tag) =	ssettag $0x1  }
0x1: {  	s2 =	stileid.u32  }
0x2: {  	p0 =	sne.s32 s2, $0x0  }
.Ltmp0:
0x3: {  	_ = 	snop;
	(pc) =	sbr.rel @p0 .LBB2_2-.Ltmp0, $4  }
0x4: {  	_ = 	snop  }
0x5: {  	s3 =	rddreg [dreg:$0x0]  }
0x6: {  	s1 =	rddreg [dreg:$0x1]  }
0x7: {  	s0 =	rddreg [dreg:$0x2];
	_ =	strace $0x80000047  }
0x8: {  	s2 =	simm.s32 $0x0;
	s29 =	simm.s32 $0x2  }
0x9: {  	[tilespmem:s2], [sflag:$0x2] =	stream.linear.gather [hbm4b:s3+s2], $0x64, $0x38;
	[tilespmem:$0x180] =	vst v63  }
0xa: {  	_ =	swait.ge [sflag:s29], $0x64  }
0xb: {  	[sflag:s29] =	ssyncset.done $0x0  }
0xc: {  	[sflag:s29] =	ssyncadd.s32 $0xFFFFFF9C  }
0xd: {  	v0 =	vld [tilespmem:$0x0];
	_ =	sdelay $0x1  }
0xe: {  	v1 =	vld [tilespmem:$0x10];
	_ =	sdelay $0x1  }
0xf: {  	v2 =	vld [tilespmem:$0x20]  }
0x10: {  	v6 =	vmax.f32 v0, $0.0e+00  }
0x11: {  	v3 =	vld [tilespmem:$0x30];
	v0 =	vadd.f32 $0.0e+00, v6  }
0x12: {  	v4 =	vmax.f32 v1, $0.0e+00  }
0x13: {  	v28 =	vld [tilespmem:$0x40];
	v0 =	vadd.f32 v4, v0  }
0x14: {  	v5 =	vmax.f32 v2, $0.0e+00  }
0x15: {  	v7 =	vld [tilespmem:$0x50];
	v0 =	vadd.f32 v5, v0  }
0x16: {  	v8 =	vld [tilespmem:$0x60];
	v3 =	vmax.f32 v3, $0.0e+00  }
0x17: {  	v10 =	vimm.s32 $0x67452301;
	v0 =	vadd.f32 v3, v0  }
0x18: {  	v9 =	vimm.s32 $0xEFCDAB89;
	v30 =	vunpack.c.l.s4.s8 v10;
	v2 =	vmax.f32 v28, $0.0e+00  }
0x19: {  	vm0 =	vmmov $0xf;
	v29 =	vunpack.c.l.s4.s8 v9;
	v1 =	vadd.f32 v2, v0  }
0x1a: {  	v36 =	vimm.s32 $0x54761032;
	v33 =	vunpack.c.0.s8.s32 v30;
	v0 =	vmax.f32 v7, $0.0e+00  }
0x1b: {  	v32 =	vmax.f32 v8, $0.0e+00;
	v7 =	vunpack.c.0.s8.s32 v29;
	v31 =	vadd.f32 v0, v1  }
0x1c: {  	v35 =	vimm.s32 $0xDCFE98BA;
	v10 =	vunpack.c.l.s4.s8 v36;
	v1 =	vnsel vm0, $0x0, v32  }
0x1d: {  	v8 =	vunpack.c.l.s4.s8 v35;
	v7 =	vcombine.low v33, v7;
	v34 =	vadd.f32 v1, v31  }
0x1e: {  	v37 =	vimm.s32 $0xBA98FEDC  }
0x1f: {  	v10 =	vunpack.c.0.s8.s32 v10;
	v8 =	vunpack.c.0.s8.s32 v8;
	v7 =	vperm.xlane v34, v7  }
0x20: {  	v38 =	vimm.s32 $0x32107654;
	v9 =	vunpack.c.l.s4.s8 v37  }
0x21: {  	v8 =	vcombine.low v10, v8;
	v10 =	vunpack.c.l.s4.s8 v38;
	v7 =	vadd.f32 v34, v7  }
0x22: {  	v11 =	vimm.s32 $0xFEDCBA98  }
0x23: {  	v9 =	vunpack.c.0.s8.s32 v9;
	v10 =	vunpack.c.0.s8.s32 v10;
	v8 =	vperm.xlane v7, v8  }
0x24: {  	v12 =	vimm.s32 $0x76543210;
	v11 =	vunpack.c.l.s4.s8 v11  }
0x25: {  	v40 =	vunpack.c.l.s4.s8 v12;
	v39 =	vcombine.low v10, v9;
	v7 =	vadd.f32 v7, v8  }
0x26: {  	v41 =	vunpack.c.0.s8.s32 v11  }
0x27: {  	v9 =	vunpack.c.0.s8.s32 v40;
	v8 =	vperm.xlane v7, v39  }
0x28: {  	v10 =	vand.u32 $0xF, v41  }
0x29: {  	v42 =	vcombine.low v10, v9;
	v7 =	vadd.f32 v7, v8;
	_ =	sdelay $0x1  }
0x2a: {  	v8 =	vperm.xlane v7, v42;
	_ =	sdelay $0x1  }
0x2b: {  	v7 =	vadd.f32 v7, v8;
	_ =	sdelay $0x1  }
0x2c: {  	(erf) = vrcp.f32 v7;
	_ =	sdelay $0x8  }
0x2d: {  	v43 =	vpop (erf)  }
0x2e: {  	v8 =	vmul.f32 v43, v6;
	_ =	sdelay $0x1  }
0x2f: {  	v44 =	vand.u32 $0x7FFFFF, v8  }
0x30: {  	v7 =	vor.u32 $0x3F800000, v44  }
0x31: {  	v45 =	vmul.f32 $5.000000000e-01, v7  }
0x32: {  	vm14 =	vgt.f32 v7, $1.414213540e+00  }
0x33: {  	v9 =	vmul.f32 v43, v4;
	v46 =	vsel vm14, v45, v7  }
0x34: {  	v7 =	vadd.f32 $1.000000000e+00, v46  }
0x35: {  	v47 =	vand.u32 $0x7FFFFF, v9  }
0x36: {  	(erf) = vrcp.f32 v7;
	v7 =	vor.u32 $0x3F800000, v47  }
0x37: {  	v48 =	vmul.f32 $5.000000000e-01, v7  }
0x38: {  	vm2 =	vgt.f32 v7, $1.414213540e+00  }
0x39: {  	v12 =	vsel vm2, v48, v7;
	v7 =	vmul.f32 v43, v5  }
0x3a: {  	vm4 =	vgt.f32 v6, $0.0e+00;
	vm10 =	vgt.f32 v4, $0.0e+00;
	v13 =	vadd.f32 $1.000000000e+00, v12  }
0x3b: {  	vm11 =	vgt.f32 v5, $0.0e+00;
	vm12 =	vgt.f32 v3, $0.0e+00;
	v49 =	vand.u32 $0x7FFFFF, v7  }
0x3c: {  	v10 =	vmul.f32 v43, v1;
	(erf) = vrcp.f32 v13;
	v13 =	vor.u32 $0x3F800000, v49  }
0x3d: {  	v17 =	vshra.s32 v8, $0x17;
	v54 =	vshra.s32 v9, $0x17;
	v50 =	vmul.f32 $5.000000000e-01, v13  }
0x3e: {  	v61 =	vand.u32 $0x7FFFFF, v10;
	v11 =	vadd.f32 $-1.000000000e+00, v46;
	vm1 =	vgt.f32 v13, $1.414213540e+00  }
0x3f: {  	v12 =	vadd.f32 $-1.000000000e+00, v12;
	v57 =	vshra.s32 v7, $0x17;
	v14 =	vpop (erf);
	v13 =	vsel vm1, v50, v13  }
0x40: {  	v11 =	vmul.f32 v14, v11;
	v14 =	vimm.s32 $0xFFFFFF81;
	v16 =	vadd.f32 $1.000000000e+00, v13  }
0x41: {  	v13 =	vadd.f32 $-1.000000000e+00, v13;
	v18 =	vsel vm14, $0xFFFFFF82, v14;
	v19 =	vsel vm2, $0xFFFFFF82, v14  }
0x42: {  	v59 =	vsel vm1, $0xFFFFFF82, v14;
	v15 =	vmul.f32 v11, v11;
	v11 =	vadd.f32 v11, v11  }
0x43: {  	(erf) = vrcp.f32 v16;
	v51 =	vadd.s32 v17, v18;
	v16 =	vmul.f32 v43, v3  }
0x44: {  	v18 =	vmul.f32 v43, v2;
	v17 =	vadd.s32 v54, v19;
	v52 =	vcvt.s32.f32 v51  }
0x45: {  	v17 =	vcvt.s32.f32 v17;
	v15 =	vmul.f32 $3.333333430e-01, v15;
	v21 =	vand.u32 $0x7FFFFF, v16;
	v53 =	vpop (erf)  }
0x46: {  	v22 =	vand.u32 $0x7FFFFF, v18;
	v21 =	vor.u32 $0x3F800000, v21;
	v12 =	vmul.f32 v53, v12  }
0x47: {  	v37 =	vshra.s32 v16, $0x17;
	v45 =	vshra.s32 v18, $0x17;
	v23 =	vmul.f32 $5.000000000e-01, v21  }
0x48: {  	v22 =	vor.u32 $0x3F800000, v22;
	vm15 =	vgt.f32 v21, $1.414213540e+00;
	v20 =	vmul.f32 v12, v12  }
0x49: {  	v17 =	vmul.f32 $6.931471820e-01, v17;
	v24 =	vmul.f32 $5.000000000e-01, v22;
	v21 =	vsel vm15, v23, v21  }
0x4a: {  	vm8 =	vgt.f32 v22, $1.414213540e+00;
	v23 =	vadd.f32 $1.000000000e+00, v21;
	v20 =	vmul.f32 $3.333333430e-01, v20  }
0x4b: {  	v15 =	vadd.f32 $1.000000000e+00, v15;
	v22 =	vsel vm8, v24, v22;
	v24 =	vmul.f32 v43, v0  }
0x4c: {  	v12 =	vadd.f32 v12, v12;
	(erf) = vrcp.f32 v23;
	v20 =	vadd.f32 $1.000000000e+00, v20  }
0x4d: {  	v35 =	vsel vm15, $0xFFFFFF82, v14;
	v55 =	vadd.f32 $1.000000000e+00, v22;
	v58 =	vand.u32 $0x7FFFFF, v24;
	v25 =	vpop (erf)  }
0x4e: {  	v13 =	vmul.f32 v25, v13;
	v12 =	vmul.f32 v20, v12;
	v20 =	vor.u32 $0x3F800000, v58  }
0x4f: {  	(erf) = vrcp.f32 v55;
	v25 =	vor.u32 $0x3F800000, v61;
	v60 =	vmul.f32 $5.000000000e-01, v20  }
0x50: {  	v39 =	vsel vm8, $0xFFFFFF82, v14;
	v26 =	vmul.f32 $5.000000000e-01, v25;
	vm3 =	vgt.f32 v20, $1.414213540e+00  }
0x51: {  	v11 =	vmul.f32 v15, v11;
	vm9 =	vgt.f32 v25, $1.414213540e+00;
	v20 =	vsel vm3, v60, v20  }
0x52: {  	v56 =	vmul.f32 v13, v13;
	v28 =	vsel vm9, v26, v25;
	v62 =	vadd.f32 $1.000000000e+00, v20  }
0x53: {  	v15 =	vmul.f32 $6.931471820e-01, v52;
	v4 =	vadd.s32 v37, v35;
	v31 =	vadd.f32 $1.000000000e+00, v28  }
0x54: {  	v27 =	vadd.f32 $-1.000000000e+00, v21;
	v19 =	vmul.f32 $3.333333430e-01, v56;
	(erf) = vrcp.f32 v62  }
0x55: {  	v4 =	vcvt.s32.f32 v4;
	v23 =	vadd.s32 v57, v59;
	v29 =	vpop (erf);
	(erf) = vrcp.f32 v31  }
0x56: {  	v63 =	vcvt.s32.f32 v23;
	v13 =	vadd.f32 v13, v13;
	v19 =	vadd.f32 $1.000000000e+00, v19  }
0x57: {  	v33 =	vadd.f32 $-1.000000000e+00, v22;
	v43 =	vmul.f32 $6.931471820e-01, v4;
	v30 =	vmul.f32 v29, v27  }
0x58: {  	v11 =	vadd.f32 v11, v15;
	v15 =	vmul.f32 $6.931471820e-01, v63;
	v13 =	vmul.f32 v19, v13;
	v34 =	vpop (erf)  }
0x59: {  	v50 =	vshra.s32 v24, $0x17;
	v36 =	vmul.f32 v34, v33;
	v32 =	vmul.f32 v30, v30  }
0x5a: {  	v57 =	vshra.s32 v10, $0x17;
	v11 =	vnsel vm4, $0xFF800000, v11;
	v12 =	vadd.f32 v12, v17  }
0x5b: {  	v13 =	vadd.f32 v13, v15;
	v38 =	vmul.f32 v36, v36;
	v15 =	vmul.f32 $3.333333430e-01, v32  }
0x5c: {  	v42 =	vsel vm3, $0xFFFFFF82, v14;
	v21 =	vadd.f32 $-1.000000000e+00, v28;
	v20 =	vadd.f32 $-1.000000000e+00, v20  }
0x5d: {  	v6 =	vadd.f32 v30, v30;
	v41 =	vmul.f32 $3.333333430e-01, v38;
	v15 =	vadd.f32 $1.000000000e+00, v15;
	v40 =	vpop (erf)  }
0x5e: {  	v19 =	vadd.s32 v45, v39;
	v5 =	vadd.f32 v36, v36;
	v44 =	vmul.f32 v40, v20;
	v48 =	vpop (erf)  }
0x5f: {  	[tilespmem:$0x100] =	vst v8;
	v6 =	vmul.f32 v15, v6;
	v15 =	vadd.f32 $1.000000000e+00, v41;
	v49 =	vmul.f32 v48, v21  }
0x60: {  	[tilespmem:$0x110] =	vst v9;
	v14 =	vsel vm9, $0xFFFFFF82, v14;
	v47 =	vcvt.s32.f32 v19;
	v46 =	vmul.f32 v44, v44  }
0x61: {  	[tilespmem:$0x160] =	vst v10;
	v52 =	vadd.s32 v50, v42;
	v5 =	vmul.f32 v15, v5;
	v54 =	vmul.f32 v49, v49  }
0x62: {  	[tilespmem:$0x120] =	vst v7;
	v3 =	vadd.f32 v6, v43;
	v6 =	vmul.f32 $6.931471820e-01, v47;
	v51 =	vmul.f32 $3.333333430e-01, v46  }
0x63: {  	[tilespmem:$0x130] =	vst v16;
	v56 =	vcvt.s32.f32 v52;
	v4 =	vadd.f32 v44, v44;
	v58 =	vmul.f32 $3.333333430e-01, v54  }
0x64: {  	[tilespmem:$0x140] =	vst v18;
	v55 =	vadd.f32 v5, v6;
	v6 =	vadd.s32 v57, v14;
	v53 =	vadd.f32 $1.000000000e+00, v51  }
0x65: {  	[tilespmem:$0x150] =	vst v24;
	v8 =	vadd.f32 v49, v49;
	v6 =	vcvt.s32.f32 v6;
	v7 =	vadd.f32 $1.000000000e+00, v58  }
0x66: {  	[tilespmem:$0x80] =	vst v11;
	v12 =	vnsel vm10, $0xFF800000, v12;
	v5 =	vmul.f32 $6.931471820e-01, v56;
	v4 =	vmul.f32 v53, v4  }
0x67: {  	[tilespmem:$0x90] =	vst v12;
	v13 =	vnsel vm11, $0xFF800000, v13;
	v61 =	vmul.f32 $6.931471820e-01, v6;
	v60 =	vmul.f32 v7, v8  }
0x68: {  	vm13 =	vgt.f32 v2, $0.0e+00;
	[tilespmem:$0xA0] =	vst v13;
	v3 =	vnsel vm12, $0xFF800000, v3;
	v59 =	vadd.f32 v4, v5  }
0x69: {  	vm14 =	vgt.f32 v0, $0.0e+00;
	[tilespmem:$0xB0] =	vst v3;
	v2 =	vnsel vm13, $0xFF800000, v55;
	v62 =	vadd.f32 v60, v61  }
0x6a: {  	vm15 =	vgt.f32 v1, $0.0e+00;
	[tilespmem:$0xC0] =	vst v2;
	v0 =	vnsel vm14, $0xFF800000, v59  }
0x6b: {  	[tilespmem:$0xD0] =	vst v0;
	v63 =	vnsel vm15, $0xFF800000, v62  }
0x6c: {  	s1 =	sadd.s32 $0x600, s1;
	s30 =	simm.s32 $0x80;
	s31 =	simm.s32 $0x1;
	[tilespmem:$0xE0] =	vst v63  }
0x6d: {  	[hbm4b:s1+s2] =	stream.linear.scatter [tilespmem:s30], [sflag:$0x1], $0x100, $0x38;
	[tilespmem:$0x180] =	vst v63  }
0x6e: {  	_ =	swait.ge [sflag:s31], $0x100  }
0x6f: {  	[sflag:s31] =	ssyncset.done $0x0  }
0x70: {  	[sflag:s31] =	ssyncadd.s32 $0xFFFFFF00  }
.LBB2_2:
0x71: {  	_ =	sfence.sel $0x180000  }
0x72: {  	[bflag:$0x0] =	sbarrier.arrive $0xFFFF  }
0x73: {  	_ =	strace $0x90000047  }
0x74: {  	s0 =	sadd.s32 @!p0 $0x100000, s0;
	[bflag:$0x2] =	sbarrier.arrive $0xFFFF  }
0x75: {  	[sflag:s0] =	ssyncadd.tile.s32 @!p0 $0x1;
	_ =	shalt  }
.Lfunc_end2:
_tile_overlayer_lowered:
.L_overlay_start_2:
0x76: {  	(tag) =	ssettag $0x2  }
0x77: {  	s0 =	rddreg [dreg:$0x0];
	s2 =	stileid.u32  }
0x78: {  	s1 =	rddreg [dreg:$0x1];
	p0 =	sne.s32 s2, $0x0  }
0x79: {  	s3 =	rddreg [dreg:$0x2];
	[bflag:$0x3] =	sbarrier.arrive $0xFFFF;
	s2 =	simm.s32 @!p0 $0x1C02  }
0x7a: {  	[timem:s3], [sflag:s2] =	dma.local @!p0 [hbm:s0], s1  }
0x7b: {  	s0 =	simm.s32 @!p0 $0x2  }
0x7c: {  	_ =	swait.ge @!p0 [sflag:s0], s1  }
0x7d: {  	s1 =	ssub.s32 @!p0 $0x0, s1;
	[sflag:s0] =	ssyncset.done @!p0 $0x0  }
0x7e: {  	[sflag:s0] =	ssyncadd.s32 @!p0 s1  }
0x7f: {  	[bflag:$0x3] =	sbarrier.arrive $0xFFFF  }
0x80: {  	_ =	shalt  }

</sc_bundles>
